<compile_context>
chip_gen: v7x
topology: tpu7x:2x2x1
jax: 0.10.2.dev20260603
libtpu: 0.0.44.dev20260713+nightly
codegen_flags: <defaults>
</compile_context>

<pallas_src>
import functools

import jax
import jax.numpy as jnp
from jax import lax
from jax.experimental import pallas as pl
from jax.experimental.pallas import tpu as pltpu
from jax.experimental.pallas import tpu_sc as plsc

H = 128
K = 256
D = 32
C = 4096
NC = 2
NS = 16
NW = NC * NS
H_PER_W = H // NW
CHUNK = 1024
NCHUNK = C // CHUNK
LANES = 16


def _sc_body(table_hbm, idx_hbm, out_hbm, idx_v, rows_v, sem):
    wid = lax.axis_index("s") * NC + lax.axis_index("c")
    h0 = wid * H_PER_W

    def do_h(hl, _):
        h = h0 + hl
        off = h * K

        def do_chunk(ci, _):
            c0 = ci * CHUNK
            pltpu.sync_copy(idx_hbm.at[h, pl.ds(c0, CHUNK)], idx_v)

            def add_off(i, _):
                sl = pl.ds(i * LANES, LANES)
                idx_v[sl] = idx_v[sl] + off
                return 0

            lax.fori_loop(0, CHUNK // LANES, add_off, 0, unroll=8)
            pltpu.async_copy(table_hbm.at[idx_v], rows_v, sem).wait()
            pltpu.sync_copy(rows_v, out_hbm.at[pl.ds(c0, CHUNK), h])
            return 0

        lax.fori_loop(0, NCHUNK, do_chunk, 0)
        return 0

    lax.fori_loop(0, H_PER_W, do_h, 0)


@jax.jit
def _rpq_gather(table, indices):
    mesh = plsc.VectorSubcoreMesh(core_axis_name="c", subcore_axis_name="s")
    k = functools.partial(
        pl.kernel,
        mesh=mesh,
        out_type=jax.ShapeDtypeStruct((C, H, D), jnp.float32),
        scratch_types=[
            pltpu.VMEM((CHUNK,), jnp.int32),
            pltpu.VMEM((CHUNK, D), jnp.float32),
            pltpu.SemaphoreType.DMA,
        ],
        compiler_params=pltpu.CompilerParams(use_tc_tiling_on_sc=False),
    )(_sc_body)
    return k(table, indices)


def kernel(codebooks, indices):
    table = codebooks.reshape(H * K, D)
    out = _rpq_gather(table, indices)
    return out.reshape(C, H * D)

# --- scband reference (transcript-rebuilt; emitter-appended) ---
"""Pipeline reference for scband-rpqweight-3255585210642 (READ-ONLY COPY).

The authoritative reference and input builder live on the scoring server;
editing this copy changes nothing except your own understanding.
"""

import jax, jax.numpy as jnp
import numpy as np


def setup_inputs(seed: int = 0) -> dict:
    key = jax.random.key(seed)
    k1, k2 = jax.random.split(key)
    # indices buffer: uint8 in torch (values in [0, 256)); use int32 in jax
    indices = jax.random.randint(k1, (128, 4096), 0, 256, dtype=jnp.int32)
    # codebooks parameter: normal init, shape [num_codebooks, 256, codebook_dim]
    codebooks = jax.random.normal(k2, (128, 256, 32), dtype=jnp.float32)
    return {"codebooks": codebooks, "indices": indices}


def reference(codebooks, indices):
    # Faithful translation of RPQWeight.forward with subset=slice(None):
    #   indices_expand = repeat(indices, 'h c -> h c d', d=codebook_dim)
    #   weight = codebooks.gather(dim=1, index=indices_expand)  -> weight[h,c,d] = codebooks[h, indices[h,c], d]
    #   weight = rearrange(weight, 'h c d -> c (h d)')
    w = jnp.take_along_axis(codebooks, indices[:, :, None], axis=1)  # [H, C, D]
    H, C, D = w.shape
    w = jnp.transpose(w, (1, 0, 2)).reshape(C, H * D)  # [C, H*D]
    return w

if __name__ == "__main__":
    import jax
    _d = setup_inputs()
    print(jax.jit(kernel)(*tuple(_d.values())))

</pallas_src>

<mosaic_0001>
#map = affine_map<(d0, d1) -> (0, 0)>
#map1 = affine_map<(d0, d1) -> (0, 0, 0)>
module attributes {stable_mosaic.version = 14 : i64} {
  func.func @_sc_body(%arg0: i32, %arg1: i32, %arg2: memref<32768x32xf32, #tpu.memory_space<hbm>>, %arg3: memref<128x4096xi32, #tpu.memory_space<hbm>>, %arg4: memref<4096x128x32xf32, #tpu.memory_space<hbm>>, %arg5: memref<1024xi32, #tpu.memory_space<vmem>>, %arg6: memref<1024x32xf32, #tpu.memory_space<vmem>>, %arg7: memref<!tpu.dma_semaphore, #tpu.memory_space<semaphore_mem>>) attributes {dimension_semantics = [#tpu.dimension_semantics<core_parallel>, #tpu.dimension_semantics<subcore_parallel>], iteration_bounds = array<i64: 2, 16>, scalar_prefetch = 0 : i64, scratch_operands = 3 : i64, tpu.core_type = #tpu.core_type<sc_vector_subcore>, window_params = [{transform_indices = #map}, {transform_indices = #map}, {transform_indices = #map1}]} {
    %mul3A = arith.constant 2 : i32
    %mul3A_0 = arith.muli %arg1, %mul3A : i32
    %add3A = arith.addi %mul3A_0, %arg0 : i32
    %mul3A_1 = arith.constant 4 : i32
    %mul3A_2 = arith.muli %add3A, %mul3A_1 : i32
    %scan3A = arith.constant 0 : i32
    %scan3A_3 = arith.constant 0 : i32
    %scan3A_4 = arith.constant 4 : i32
    %scan3A_5 = arith.addi %scan3A_3, %scan3A_4 : i32
    %scan3A_6 = arith.constant 1 : i32
    %scan3A_7 = scf.for %scan3A_9 = %scan3A_3 to %scan3A_5 step %scan3A_6 iter_args(%scan3A_10 = %scan3A) -> (i32)  : i32 {
      %add3A_11 = arith.addi %mul3A_2, %scan3A_9 : i32
      %mul3A_12 = arith.constant 256 : i32
      %mul3A_13 = arith.muli %add3A_11, %mul3A_12 : i32
      %scan3A_14 = arith.constant 0 : i32
      %scan3A_15 = arith.constant 0 : i32
      %scan3A_16 = arith.constant 4 : i32
      %scan3A_17 = arith.addi %scan3A_15, %scan3A_16 : i32
      %scan3A_18 = arith.constant 1 : i32
      %scan3A_19 = scf.for %scan3A_22 = %scan3A_15 to %scan3A_17 step %scan3A_18 iter_args(%scan3A_23 = %scan3A_14) -> (i32)  : i32 {
        %mul3A_24 = arith.constant 1024 : i32
        %mul3A_25 = arith.muli %scan3A_22, %mul3A_24 : i32
        "tpu.region"() ({
          %run_scoped3A = tpu.sem_alloc : memref<!tpu.dma_semaphore, #tpu.memory_space<semaphore_mem>>
          %dma_start3A_38 = tpu.memref_slice %arg3[%add3A_11, %mul3A_25] : memref<128x4096xi32, #tpu.memory_space<hbm>> -> memref<1x1024xi32, #tpu.memory_space<hbm>>
          %dma_start3A_39 = tpu.memref_squeeze %dma_start3A_38 : memref<1x1024xi32, #tpu.memory_space<hbm>> -> memref<1024xi32, #tpu.memory_space<hbm>>
          %dma_start3A_40 = tpu.memref_slice %arg3[%add3A_11, %mul3A_25] : memref<128x4096xi32, #tpu.memory_space<hbm>> -> memref<1x1024xi32, #tpu.memory_space<hbm>>
          %dma_start3A_41 = tpu.memref_squeeze %dma_start3A_40 : memref<1x1024xi32, #tpu.memory_space<hbm>> -> memref<1024xi32, #tpu.memory_space<hbm>>
          tpu.enqueue_dma source(%dma_start3A_41 : memref<1024xi32, #tpu.memory_space<hbm>>) target(%arg5 : memref<1024xi32, #tpu.memory_space<vmem>>) target_semaphore(%run_scoped3A : memref<!tpu.dma_semaphore, #tpu.memory_space<semaphore_mem>>)
          %dma_wait3A_42 = tpu.memref_slice %arg3[%add3A_11, %mul3A_25] : memref<128x4096xi32, #tpu.memory_space<hbm>> -> memref<1x1024xi32, #tpu.memory_space<hbm>>
          %dma_wait3A_43 = tpu.memref_squeeze %dma_wait3A_42 : memref<1x1024xi32, #tpu.memory_space<hbm>> -> memref<1024xi32, #tpu.memory_space<hbm>>
          %dma_wait3A_44 = tpu.memref_slice %arg3[%add3A_11, %mul3A_25] : memref<128x4096xi32, #tpu.memory_space<hbm>> -> memref<1x1024xi32, #tpu.memory_space<hbm>>
          %dma_wait3A_45 = tpu.memref_squeeze %dma_wait3A_44 : memref<1x1024xi32, #tpu.memory_space<hbm>> -> memref<1024xi32, #tpu.memory_space<hbm>>
          tpu.wait_dma2 semaphore(%run_scoped3A : memref<!tpu.dma_semaphore, #tpu.memory_space<semaphore_mem>>) src(%dma_wait3A_45 : memref<1024xi32, #tpu.memory_space<hbm>>) dst(%arg5 : memref<1024xi32, #tpu.memory_space<vmem>>)
          tpu.yield
        }) : () -> ()
        %scan3A_26 = arith.constant 0 : i32
        %scan3A_27 = arith.constant 0 : i32
        %scan3A_28 = arith.constant 64 : i32
        %scan3A_29 = arith.addi %scan3A_27, %scan3A_28 : i32
        %scan3A_30 = arith.constant 8 : i32
        %scan3A_31 = scf.for %scan3A_38 = %scan3A_27 to %scan3A_29 step %scan3A_30 iter_args(%scan3A_39 = %scan3A_26) -> (i32)  : i32 {
          %mul3A_40 = arith.constant 16 : i32
          %mul3A_41 = arith.muli %scan3A_38, %mul3A_40 : i32
          %get3A = arith.index_cast %mul3A_41 : i32 to index
          %get3A_42 = tpu.vector_load %arg5[%get3A] {strides = array<i32>} : memref<1024xi32, #tpu.memory_space<vmem>>, vector<16xi32>,
          %get3A_43 = vector.shape_cast %get3A_42 : vector<16xi32> to vector<16xi32>
          %add3A_44 = vector.broadcast %mul3A_13 : i32 to vector<16xi32>
          %add3A_45 = arith.addi %get3A_43, %add3A_44 : vector<16xi32>
          %swap3A = arith.index_cast %mul3A_41 : i32 to index
          %swap3A_46 = tpu.vector_load %arg5[%swap3A] {strides = array<i32>} : memref<1024xi32, #tpu.memory_space<vmem>>, vector<16xi32>,
          %swap3A_47 = vector.shape_cast %swap3A_46 : vector<16xi32> to vector<16xi32>
          %swap3A_48 = vector.shape_cast %add3A_45 : vector<16xi32> to vector<16xi32>
          tpu.vector_store %arg5[%swap3A], %swap3A_48 {strides = array<i32>} : memref<1024xi32, #tpu.memory_space<vmem>>, vector<16xi32>,
          %scan3A_49 = arith.constant 0 : i32
          %scan3A_50 = arith.constant 1 : i32
          %scan3A_51 = arith.addi %scan3A_38, %scan3A_50 : i32
          %mul3A_52 = arith.constant 16 : i32
          %mul3A_53 = arith.muli %scan3A_51, %mul3A_52 : i32
          %get3A_54 = arith.index_cast %mul3A_53 : i32 to index
          %get3A_55 = tpu.vector_load %arg5[%get3A_54] {strides = array<i32>} : memref<1024xi32, #tpu.memory_space<vmem>>, vector<16xi32>,
          %get3A_56 = vector.shape_cast %get3A_55 : vector<16xi32> to vector<16xi32>
          %add3A_57 = vector.broadcast %mul3A_13 : i32 to vector<16xi32>
          %add3A_58 = arith.addi %get3A_56, %add3A_57 : vector<16xi32>
          %swap3A_59 = arith.index_cast %mul3A_53 : i32 to index
          %swap3A_60 = tpu.vector_load %arg5[%swap3A_59] {strides = array<i32>} : memref<1024xi32, #tpu.memory_space<vmem>>, vector<16xi32>,
          %swap3A_61 = vector.shape_cast %swap3A_60 : vector<16xi32> to vector<16xi32>
          %swap3A_62 = vector.shape_cast %add3A_58 : vector<16xi32> to vector<16xi32>
          tpu.vector_store %arg5[%swap3A_59], %swap3A_62 {strides = array<i32>} : memref<1024xi32, #tpu.memory_space<vmem>>, vector<16xi32>,
          %scan3A_63 = arith.constant 0 : i32
          %scan3A_64 = arith.constant 2 : i32
          %scan3A_65 = arith.addi %scan3A_38, %scan3A_64 : i32
          %mul3A_66 = arith.constant 16 : i32
          %mul3A_67 = arith.muli %scan3A_65, %mul3A_66 : i32
          %get3A_68 = arith.index_cast %mul3A_67 : i32 to index
          %get3A_69 = tpu.vector_load %arg5[%get3A_68] {strides = array<i32>} : memref<1024xi32, #tpu.memory_space<vmem>>, vector<16xi32>,
          %get3A_70 = vector.shape_cast %get3A_69 : vector<16xi32> to vector<16xi32>
          %add3A_71 = vector.broadcast %mul3A_13 : i32 to vector<16xi32>
          %add3A_72 = arith.addi %get3A_70, %add3A_71 : vector<16xi32>
          %swap3A_73 = arith.index_cast %mul3A_67 : i32 to index
          %swap3A_74 = tpu.vector_load %arg5[%swap3A_73] {strides = array<i32>} : memref<1024xi32, #tpu.memory_space<vmem>>, vector<16xi32>,
          %swap3A_75 = vector.shape_cast %swap3A_74 : vector<16xi32> to vector<16xi32>
          %swap3A_76 = vector.shape_cast %add3A_72 : vector<16xi32> to vector<16xi32>
          tpu.vector_store %arg5[%swap3A_73], %swap3A_76 {strides = array<i32>} : memref<1024xi32, #tpu.memory_space<vmem>>, vector<16xi32>,
          %scan3A_77 = arith.constant 0 : i32
          %scan3A_78 = arith.constant 3 : i32
          %scan3A_79 = arith.addi %scan3A_38, %scan3A_78 : i32
          %mul3A_80 = arith.constant 16 : i32
          %mul3A_81 = arith.muli %scan3A_79, %mul3A_80 : i32
          %get3A_82 = arith.index_cast %mul3A_81 : i32 to index
          %get3A_83 = tpu.vector_load %arg5[%get3A_82] {strides = array<i32>} : memref<1024xi32, #tpu.memory_space<vmem>>, vector<16xi32>,
          %get3A_84 = vector.shape_cast %get3A_83 : vector<16xi32> to vector<16xi32>
          %add3A_85 = vector.broadcast %mul3A_13 : i32 to vector<16xi32>
          %add3A_86 = arith.addi %get3A_84, %add3A_85 : vector<16xi32>
          %swap3A_87 = arith.index_cast %mul3A_81 : i32 to index
          %swap3A_88 = tpu.vector_load %arg5[%swap3A_87] {strides = array<i32>} : memref<1024xi32, #tpu.memory_space<vmem>>, vector<16xi32>,
          %swap3A_89 = vector.shape_cast %swap3A_88 : vector<16xi32> to vector<16xi32>
          %swap3A_90 = vector.shape_cast %add3A_86 : vector<16xi32> to vector<16xi32>
          tpu.vector_store %arg5[%swap3A_87], %swap3A_90 {strides = array<i32>} : memref<1024xi32, #tpu.memory_space<vmem>>, vector<16xi32>,
          %scan3A_91 = arith.constant 0 : i32
          %scan3A_92 = arith.constant 4 : i32
          %scan3A_93 = arith.addi %scan3A_38, %scan3A_92 : i32
          %mul3A_94 = arith.constant 16 : i32
          %mul3A_95 = arith.muli %scan3A_93, %mul3A_94 : i32
          %get3A_96 = arith.index_cast %mul3A_95 : i32 to index
          %get3A_97 = tpu.vector_load %arg5[%get3A_96] {strides = array<i32>} : memref<1024xi32, #tpu.memory_space<vmem>>, vector<16xi32>,
          %get3A_98 = vector.shape_cast %get3A_97 : vector<16xi32> to vector<16xi32>
          %add3A_99 = vector.broadcast %mul3A_13 : i32 to vector<16xi32>
          %add3A_100 = arith.addi %get3A_98, %add3A_99 : vector<16xi32>
          %swap3A_101 = arith.index_cast %mul3A_95 : i32 to index
          %swap3A_102 = tpu.vector_load %arg5[%swap3A_101] {strides = array<i32>} : memref<1024xi32, #tpu.memory_space<vmem>>, vector<16xi32>,
          %swap3A_103 = vector.shape_cast %swap3A_102 : vector<16xi32> to vector<16xi32>
          %swap3A_104 = vector.shape_cast %add3A_100 : vector<16xi32> to vector<16xi32>
          tpu.vector_store %arg5[%swap3A_101], %swap3A_104 {strides = array<i32>} : memref<1024xi32, #tpu.memory_space<vmem>>, vector<16xi32>,
          %scan3A_105 = arith.constant 0 : i32
          %scan3A_106 = arith.constant 5 : i32
          %scan3A_107 = arith.addi %scan3A_38, %scan3A_106 : i32
          %mul3A_108 = arith.constant 16 : i32
          %mul3A_109 = arith.muli %scan3A_107, %mul3A_108 : i32
          %get3A_110 = arith.index_cast %mul3A_109 : i32 to index
          %get3A_111 = tpu.vector_load %arg5[%get3A_110] {strides = array<i32>} : memref<1024xi32, #tpu.memory_space<vmem>>, vector<16xi32>,
          %get3A_112 = vector.shape_cast %get3A_111 : vector<16xi32> to vector<16xi32>
          %add3A_113 = vector.broadcast %mul3A_13 : i32 to vector<16xi32>
          %add3A_114 = arith.addi %get3A_112, %add3A_113 : vector<16xi32>
          %swap3A_115 = arith.index_cast %mul3A_109 : i32 to index
          %swap3A_116 = tpu.vector_load %arg5[%swap3A_115] {strides = array<i32>} : memref<1024xi32, #tpu.memory_space<vmem>>, vector<16xi32>,
          %swap3A_117 = vector.shape_cast %swap3A_116 : vector<16xi32> to vector<16xi32>
          %swap3A_118 = vector.shape_cast %add3A_114 : vector<16xi32> to vector<16xi32>
          tpu.vector_store %arg5[%swap3A_115], %swap3A_118 {strides = array<i32>} : memref<1024xi32, #tpu.memory_space<vmem>>, vector<16xi32>,
          %scan3A_119 = arith.constant 0 : i32
          %scan3A_120 = arith.constant 6 : i32
          %scan3A_121 = arith.addi %scan3A_38, %scan3A_120 : i32
          %mul3A_122 = arith.constant 16 : i32
          %mul3A_123 = arith.muli %scan3A_121, %mul3A_122 : i32
          %get3A_124 = arith.index_cast %mul3A_123 : i32 to index
          %get3A_125 = tpu.vector_load %arg5[%get3A_124] {strides = array<i32>} : memref<1024xi32, #tpu.memory_space<vmem>>, vector<16xi32>,
          %get3A_126 = vector.shape_cast %get3A_125 : vector<16xi32> to vector<16xi32>
          %add3A_127 = vector.broadcast %mul3A_13 : i32 to vector<16xi32>
          %add3A_128 = arith.addi %get3A_126, %add3A_127 : vector<16xi32>
          %swap3A_129 = arith.index_cast %mul3A_123 : i32 to index
          %swap3A_130 = tpu.vector_load %arg5[%swap3A_129] {strides = array<i32>} : memref<1024xi32, #tpu.memory_space<vmem>>, vector<16xi32>,
          %swap3A_131 = vector.shape_cast %swap3A_130 : vector<16xi32> to vector<16xi32>
          %swap3A_132 = vector.shape_cast %add3A_128 : vector<16xi32> to vector<16xi32>
          tpu.vector_store %arg5[%swap3A_129], %swap3A_132 {strides = array<i32>} : memref<1024xi32, #tpu.memory_space<vmem>>, vector<16xi32>,
          %scan3A_133 = arith.constant 0 : i32
          %scan3A_134 = arith.constant 7 : i32
          %scan3A_135 = arith.addi %scan3A_38, %scan3A_134 : i32
          %mul3A_136 = arith.constant 16 : i32
          %mul3A_137 = arith.muli %scan3A_135, %mul3A_136 : i32
          %get3A_138 = arith.index_cast %mul3A_137 : i32 to index
          %get3A_139 = tpu.vector_load %arg5[%get3A_138] {strides = array<i32>} : memref<1024xi32, #tpu.memory_space<vmem>>, vector<16xi32>,
          %get3A_140 = vector.shape_cast %get3A_139 : vector<16xi32> to vector<16xi32>
          %add3A_141 = vector.broadcast %mul3A_13 : i32 to vector<16xi32>
          %add3A_142 = arith.addi %get3A_140, %add3A_141 : vector<16xi32>
          %swap3A_143 = arith.index_cast %mul3A_137 : i32 to index
          %swap3A_144 = tpu.vector_load %arg5[%swap3A_143] {strides = array<i32>} : memref<1024xi32, #tpu.memory_space<vmem>>, vector<16xi32>,
          %swap3A_145 = vector.shape_cast %swap3A_144 : vector<16xi32> to vector<16xi32>
          %swap3A_146 = vector.shape_cast %add3A_142 : vector<16xi32> to vector<16xi32>
          tpu.vector_store %arg5[%swap3A_143], %swap3A_146 {strides = array<i32>} : memref<1024xi32, #tpu.memory_space<vmem>>, vector<16xi32>,
          %scan3A_147 = arith.constant 0 : i32
          scf.yield %scan3A_147 : i32
        }
        %scan3A_32 = arith.constant 64 : i32
        %dma_start3A = arith.constant 0 : i32
        %dma_start3A_33 = arith.constant 0 : i32
        %dma_start3A_34 = tpu.memref_slice %arg2[%dma_start3A, %dma_start3A_33] : memref<32768x32xf32, #tpu.memory_space<hbm>> -> memref<32768x32xf32, #tpu.memory_space<hbm>>
        tpu.enqueue_indirect_dma source(%dma_start3A_34 : memref<32768x32xf32, #tpu.memory_space<hbm>>) target(%arg6 : memref<1024x32xf32, #tpu.memory_space<vmem>>) offsets(%arg5 : memref<1024xi32, #tpu.memory_space<vmem>>) semaphore(%arg7 : memref<!tpu.dma_semaphore, #tpu.memory_space<semaphore_mem>>)
        %dma_wait3A = arith.constant 0 : i32
        %dma_wait3A_35 = arith.constant 0 : i32
        %dma_wait3A_36 = tpu.memref_slice %arg2[%dma_wait3A, %dma_wait3A_35] : memref<32768x32xf32, #tpu.memory_space<hbm>> -> memref<32768x32xf32, #tpu.memory_space<hbm>>
        tpu.wait_indirect_dma semaphore(%arg7 : memref<!tpu.dma_semaphore, #tpu.memory_space<semaphore_mem>>) src(%dma_wait3A_36 : memref<32768x32xf32, #tpu.memory_space<hbm>>) dst(%arg6 : memref<1024x32xf32, #tpu.memory_space<vmem>>)
        "tpu.region"() ({
          %run_scoped3A = tpu.sem_alloc : memref<!tpu.dma_semaphore, #tpu.memory_space<semaphore_mem>>
          %dma_start3A_38 = arith.constant 0 : i32
          %dma_start3A_39 = tpu.memref_slice %arg4[%mul3A_25, %add3A_11, %dma_start3A_38] : memref<4096x128x32xf32, #tpu.memory_space<hbm>> -> memref<1024x1x32xf32, #tpu.memory_space<hbm>>
          %dma_start3A_40 = tpu.memref_squeeze %dma_start3A_39 : memref<1024x1x32xf32, #tpu.memory_space<hbm>> -> memref<1024x32xf32, #tpu.memory_space<hbm>>
          %dma_start3A_41 = arith.constant 0 : i32
          %dma_start3A_42 = tpu.memref_slice %arg4[%mul3A_25, %add3A_11, %dma_start3A_41] : memref<4096x128x32xf32, #tpu.memory_space<hbm>> -> memref<1024x1x32xf32, #tpu.memory_space<hbm>>
          %dma_start3A_43 = tpu.memref_squeeze %dma_start3A_42 : memref<1024x1x32xf32, #tpu.memory_space<hbm>> -> memref<1024x32xf32, #tpu.memory_space<hbm>>
          tpu.enqueue_dma source(%arg6 : memref<1024x32xf32, #tpu.memory_space<vmem>>) target(%dma_start3A_43 : memref<1024x32xf32, #tpu.memory_space<hbm>>) target_semaphore(%run_scoped3A : memref<!tpu.dma_semaphore, #tpu.memory_space<semaphore_mem>>)
          %dma_wait3A_44 = arith.constant 0 : i32
          %dma_wait3A_45 = tpu.memref_slice %arg4[%mul3A_25, %add3A_11, %dma_wait3A_44] : memref<4096x128x32xf32, #tpu.memory_space<hbm>> -> memref<1024x1x32xf32, #tpu.memory_space<hbm>>
          %dma_wait3A_46 = tpu.memref_squeeze %dma_wait3A_45 : memref<1024x1x32xf32, #tpu.memory_space<hbm>> -> memref<1024x32xf32, #tpu.memory_space<hbm>>
          %dma_wait3A_47 = arith.constant 0 : i32
          %dma_wait3A_48 = tpu.memref_slice %arg4[%mul3A_25, %add3A_11, %dma_wait3A_47] : memref<4096x128x32xf32, #tpu.memory_space<hbm>> -> memref<1024x1x32xf32, #tpu.memory_space<hbm>>
          %dma_wait3A_49 = tpu.memref_squeeze %dma_wait3A_48 : memref<1024x1x32xf32, #tpu.memory_space<hbm>> -> memref<1024x32xf32, #tpu.memory_space<hbm>>
          tpu.wait_dma2 semaphore(%run_scoped3A : memref<!tpu.dma_semaphore, #tpu.memory_space<semaphore_mem>>) src(%arg6 : memref<1024x32xf32, #tpu.memory_space<vmem>>) dst(%dma_wait3A_49 : memref<1024x32xf32, #tpu.memory_space<hbm>>)
          tpu.yield
        }) : () -> ()
        %scan3A_37 = arith.constant 0 : i32
        scf.yield %scan3A_37 : i32
      }
      %scan3A_20 = arith.constant 4 : i32
      %scan3A_21 = arith.constant 0 : i32
      scf.yield %scan3A_21 : i32
    }
    %scan3A_8 = arith.constant 4 : i32
    return
  }
}

</mosaic_0001>

<sc_bundles>
// kernel: _rpq_gather.3.cloned.1.call-start
scs
__scs_entry_jumppad:
0x0: {  	(pc) =	sbr.rel $0x88, $3  }
0x1: {  	(tag) =	ssettag $0x0;
	lr =	simm.s32 $0x1  }
0x2: {  	[smem:$0x3F9F] =	sst lr;
	_ =	strace $0xD0000000  }
0x3: {  	_ = 	snop  }
0x4: {  	_ = 	snop  }
0x5: {  	_ = 	snop  }
0x6: {  	_ = 	snop  }
0x7: {  	_ = 	snop  }
__scs_overlays_trampoline_lowered:
0x8: {  	[smem:$0x3FAE] =	sst s0  }
0x9: {  	[smem:$0x3FAF] =	sst s1  }
0xa: {  	[smem:$0x3FB0] =	sst s2  }
0xb: {  	[smem:$0x3FB1] =	sst s3  }
0xc: {  	[smem:$0x3FB2] =	sst s4  }
0xd: {  	[smem:$0x3FB3] =	sst s5  }
0xe: {  	[smem:$0x3FB4] =	sst s6  }
0xf: {  	[smem:$0x3FB5] =	sst s7  }
0x10: {  	[smem:$0x3FB6] =	sst s8  }
0x11: {  	[smem:$0x3FB7] =	sst s9;
	s0 =	simm.s32 @!p0 $0x0  }
0x12: {  	s1 =	sld [smem:$0x3F9D];
	s0 =	simm.s32 @p0 $0x1  }
0x13: {  	[smem:$0x3FB8] =	sst s0;
	s0 =	simm.s32 @!p1 $0x0  }
0x14: {  	s2 =	sld [smem:$0x3F9C];
	s0 =	simm.s32 @p1 $0x1  }
0x15: {  	[smem:$0x3FB9] =	sst s0;
	s0 =	simm.s32 @!p2 $0x0  }
0x16: {  	s3 =	sld [smem:$0x3FDB];
	s0 =	simm.s32 @p2 $0x1  }
0x17: {  	s4 =	simm.s32 $0x1BF5;
	[smem:$0x3FBB] =	sst s0  }
0x18: {  	s0 =	sld [smem:$0x3F9E];
	_ =	swait.ge [sflag:s4], $0x0  }
0x19: {  	s7 =	sld [smem:$0x3F9F]  }
0x1a: {  	s8 =	sadd.s32 $0xFFFFE003, lr  }
0x1b: {  	s9 =	sadd.s32 $0xFFFFFEF7, lr;
	s5 =	simm.s32 $0xFFFFFFFF;
	p2 =	slt.u32 s8, $0xFFFFF086  }
0x1c: {  	p1 =	slt.u32 s9, $0xF7A;
	s5 =	simm.s32 @!p2 $0x0  }
0x1d: {  	s5 =	simm.s32 @p1 $0x1;
	p0 =	seq.s32 s7, s2  }
0x1e: {  	s7 =	smul.u32 @!p0 $0xF7A, s2;
	p2 =	seq.s32 @!p0 s5, $0x0  }
0x1f: {  	s9 =	smul.u32 $0xF7A, s1;
	s8 =	simm.s32 @!p0 $0x1BF5;
	p2 =	por !p2, p0  }
0x20: {  	[sflag:s8] =	ssyncset.s32 @!p0 $0xFFFFF086;
	s6 =	sadd.s32 @!p0 s3, s7;
	s7 =	simm.s32 @!p0 $0x108  }
0x21: {  	s3 =	sadd.s32 s3, s9;
	s6 =	sadd.s32 @!p0 $0x88, s6;
	s7 =	simm.s32 @p2 $0x1082  }
0x22: {  	[simem:s7], [sflag:s8] =	dma.local @!p0 [hbm:s6], $0xF7A  }
0x23: {  	s9 =	sor.u32 $0xD0000000, s2;
	s6 =	simm.s32 $0x108;
	_ =	swait.ge @!p0 [sflag:s8], $0x0  }
0x24: {  	s3 =	sadd.s32 $0x88, s3;
	s6 =	simm.s32 @!p1 $0x1082;
	[sflag:s4] =	ssyncset.s32 $0xFFFFF086  }
0x25: {  	[simem:s6], [sflag:s4] =	dma.local [hbm:s3], $0xF7A  }
0x26: {  	[smem:$0x3F9F] =	sst s1;
	(tag) =	ssettag s2;
	_ =	strace s9  }
0x27: {  	s1 =	sld [smem:$0x3FAF]  }
0x28: {  	s2 =	sld [smem:$0x3FB0]  }
0x29: {  	s4 =	sld [smem:$0x3FB2]  }
0x2a: {  	p0 =	seq.s32 s5, $0x0;
	s5 =	sld [smem:$0x3FB3]  }
0x2b: {  	s6 =	sld [smem:$0x3FB4]  }
0x2c: {  	s7 =	sld [smem:$0x3FB5]  }
0x2d: {  	s3 =	simm.s32 $0x108;
	s8 =	sld [smem:$0x3FB6]  }
0x2e: {  	s3 =	simm.s32 @!p0 $0x1082;
	s9 =	sld [smem:$0x3FB7]  }
0x2f: {  	lr =	sadd.s32 s0, s3;
	s0 =	sld [smem:$0x3FAE]  }
0x30: {  	s3 =	sld [smem:$0x3FB1]  }
0x31: {  	[smem:$0x3FBA] =	sst s10  }
0x32: {  	s10 =	sld [smem:$0x3FB8];
	_ =	sdelay $0x3  }
0x33: {  	p0 =	seq.s32 s10, $0x1;
	s10 =	sld [smem:$0x3FBA];
	_ =	sdelay $0x3  }
0x34: {  	[smem:$0x3FBA] =	sst s10  }
0x35: {  	s10 =	sld [smem:$0x3FB9];
	_ =	sdelay $0x3  }
0x36: {  	p1 =	seq.s32 s10, $0x1;
	s10 =	sld [smem:$0x3FBA];
	_ =	sdelay $0x3  }
0x37: {  	[smem:$0x3FBA] =	sst s10  }
0x38: {  	s10 =	sld [smem:$0x3FBB]  }
0x39: {  	_ = 	snop;
	(pc) =	sbr.ind lr, $3  }
0x3a: {  	_ = 	snop  }
0x3b: {  	_ = 	snop  }
0x3c: {  	p2 =	seq.s32 s10, $0x1;
	s10 =	sld [smem:$0x3FBA]  }
0x3d: {  	_ =	shalt  }
0x3e: {  	_ =	shalt  }
0x3f: {  	_ =	shalt  }
0x40: {  	_ =	shalt  }
0x41: {  	_ =	shalt  }
0x42: {  	_ =	shalt  }
0x43: {  	_ =	shalt  }
0x44: {  	_ =	shalt  }
0x45: {  	_ =	shalt  }
0x46: {  	_ =	shalt  }
0x47: {  	_ =	shalt  }
0x48: {  	_ =	shalt  }
0x49: {  	_ =	shalt  }
0x4a: {  	_ =	shalt  }
0x4b: {  	_ =	shalt  }
0x4c: {  	_ =	shalt  }
0x4d: {  	_ =	shalt  }
0x4e: {  	_ =	shalt  }
0x4f: {  	_ =	shalt  }
0x50: {  	_ =	shalt  }
0x51: {  	_ =	shalt  }
0x52: {  	_ =	shalt  }
0x53: {  	_ =	shalt  }
0x54: {  	_ =	shalt  }
0x55: {  	_ =	shalt  }
0x56: {  	_ =	shalt  }
0x57: {  	_ =	shalt  }
0x58: {  	_ =	shalt  }
0x59: {  	_ =	shalt  }
0x5a: {  	_ =	shalt  }
0x5b: {  	_ =	shalt  }
0x5c: {  	_ =	shalt  }
0x5d: {  	_ =	shalt  }
0x5e: {  	_ =	shalt  }
0x5f: {  	_ =	shalt  }
0x60: {  	_ =	shalt  }
0x61: {  	_ =	shalt  }
0x62: {  	_ =	shalt  }
0x63: {  	_ =	shalt  }
0x64: {  	_ =	shalt  }
0x65: {  	_ =	shalt  }
0x66: {  	_ =	shalt  }
0x67: {  	_ =	shalt  }
0x68: {  	_ =	shalt  }
0x69: {  	_ =	shalt  }
0x6a: {  	_ =	shalt  }
0x6b: {  	_ =	shalt  }
0x6c: {  	_ =	shalt  }
0x6d: {  	_ =	shalt  }
0x6e: {  	_ =	shalt  }
0x6f: {  	_ =	shalt  }
0x70: {  	_ =	shalt  }
0x71: {  	_ =	shalt  }
0x72: {  	_ =	shalt  }
0x73: {  	_ =	shalt  }
0x74: {  	_ =	shalt  }
0x75: {  	_ =	shalt  }
0x76: {  	_ =	shalt  }
0x77: {  	_ =	shalt  }
0x78: {  	_ =	shalt  }
0x79: {  	_ =	shalt  }
0x7a: {  	_ =	shalt  }
0x7b: {  	_ =	shalt  }
0x7c: {  	_ =	shalt  }
0x7d: {  	_ =	shalt  }
0x7e: {  	_ =	shalt  }
0x7f: {  	_ =	shalt  }
0x80: {  	_ =	shalt  }
0x81: {  	_ =	shalt  }
0x82: {  	_ =	shalt  }
0x83: {  	_ =	shalt  }
0x84: {  	_ =	shalt  }
0x85: {  	_ =	shalt  }
0x86: {  	_ =	shalt  }
0x87: {  	_ =	shalt  }
.Lfunc_end0:
.L_simem_size_0:
called_computation.1_lowered:
.L_overlay_start_0:
0x88: {  	s2 =	sld [smem:$0x3FD9]  }
0x89: {  	s3 =	sld [smem:$0x3FFE];
	_ =	sdelay $0x1  }
0x8a: {  	s1 =	srdreg.scid  }
0x8b: {  	s0 =	sand.u32 $0x1, s1  }
0x8c: {  	s17 =	sshll.u32 s0, $0xA;
	s2 =	sadd.s32 s3, s2  }
0x8d: {  	s2 =	sadd.s32 s2, s17  }
0x8e: {  	[smem:$0x3FC6] =	sst s2  }
0x8f: {  	_ = 	snop  }
0x90: {  	s2 =	sld [smem:$0x3FD0];
	(tm) =	ssettm $0x1  }
0x91: {  	s18 =	sld [smem:$0x3FFB];
	_ =	sdelay $0x3  }
0x92: {  	_ =	strace s18  }
0x93: {  	s3 =	sld [smem:$0x3FFC];
	_ =	sdelay $0x3  }
0x94: {  	_ =	strace s3  }
0x95: {  	s3 =	sld [smem:$0x3FFD];
	_ =	sdelay $0x3  }
0x96: {  	_ =	strace s3  }
0x97: {  	_ =	strace $0x8FFFFFFF  }
0x98: {  	s19 =	sld [smem:$0x3FDB];
	_ =	sdelay $0x1  }
0x99: {  	s4 =	simm.s32 $_scs_section_size  }
0x9a: {  	s5 =	simm.s32 $_size__tile_overlayer_lowered;
	s6 =	simm.s32 $_tile_overlayer_lowered  }
0x9b: {  	s22 =	simm.s32 $0x1BFF;
	s21 =	sshll.u32 s6, $0x1;
	s3 =	sadd.s32 s4, s19  }
0x9c: {  	s7 =	simm.s32 $0x0;
	s20 =	sshll.u32 s5, $0x1;
	s5 =	sadd.s32 s21, s3  }
0x9d: {  	[timem:s7], [sflag:s22] =	dma.local [hbm:s5], s20  }
0x9e: {  	_ =	swait.ge [sflag:s22], s20  }
0x9f: {  	s4 =	ssub.s32 $0x0, s20;
	[sflag:s22] =	ssyncset.done $0x0  }
0xa0: {  	[sflag:s22] =	ssyncadd.s32 s4;
	_ =	sdelay $0x1  }
0xa1: {  	s23 =	simm.s32 $0x1B8B  }
0xa2: {  	_ =	swait.ge [sflag:s23], $0x1  }
0xa3: {  	[sflag:s23] =	ssyncset.done $0x0  }
0xa4: {  	s25 =	simm.s32 $0x1B8E;
	s24 =	sld [smem:$0x3FFE];
	[sflag:s23] =	ssyncadd.s32 $0xFFFFFFFF  }
0xa5: {  	s26 =	simm.s32 $execute0_lowered;
	[smem:$0x3FD2] =	sst s25  }
0xa6: {  	s5 =	sshll.u32 s26, $0x1;
	_ =	strace $0x80000046;
	[dreg:$0x1] =	wrdreg $0xFFFFFFFF  }
0xa7: {  	s28 =	simm.s32 $_size_execute0_lowered;
	s3 =	sadd.s32 s3, s5;
	[dreg:$0x0] =	wrdreg $0x0  }
0xa8: {  	s5 =	sshll.u32 s28, $0x1;
	[dreg:$0x2] =	wrdreg s3  }
0xa9: {  	[dreg:$0x3] =	wrdreg s5  }
0xaa: {  	[dreg:$0x4] =	wrdreg $0xC0  }
0xab: {  	_ =	task [dreg:s7], $0x5FFFF  }
0xac: {  	[dreg:$0x1] =	wrdreg $0xFFFFFFFF  }
0xad: {  	[dreg:$0x0] =	wrdreg $0x60  }
0xae: {  	[dreg:$0x2] =	wrdreg s24  }
0xaf: {  	[dreg:$0x3] =	wrdreg s2  }
0xb0: {  	[dreg:$0x4] =	wrdreg $0x9  }
0xb1: {  	_ =	task.clear_ibuf [dreg:s7], $0x5FFFF;
	_ =	strace $0x90000046  }
0xb2: {  	s29 =	simm.s32 $0x9;
	_ =	strace $0x80000048  }
0xb3: {  	_ =	swait.ge [sflag:s29], $0x1  }
0xb4: {  	[sflag:s29] =	ssyncadd.s32 $0xFFFFFFFF  }
0xb5: {  	_ =	strace $0x90000048  }
0xb6: {  	_ =	sfence  }
0xb7: {  	s30 =	sld [smem:$0x0];
	_ =	sdelay $0x2  }
0xb8: {  	s31 =	sshll.u32 s1, $0xD;
	s1 =	sshrl.u32 s1, $0x2  }
0xb9: {  	s3 =	sand.u32 $0x4000, s31;
	s1 =	sadd.s32 s1, s30  }
0xba: {  	s0 =	sor.u32 s3, s0;
	s1 =	sshll.u32 s1, $0x11  }
0xbb: {  	s0 =	sor.u32 s1, s0  }
0xbc: {  	s0 =	sadd.s32 $0x8F2B, s0  }
0xbd: {  	[sflag:s0] =	ssyncadd.remote.s32 $0x1  }
0xbe: {  	_ =	sfence.sel $0xFFFF  }
0xbf: {  	[dreg:$0x0] =	wrdreg $0xFFFFFFFF;
	(pc) =	sbr.abs _section_cstart, $3  }
0xc0: {  	[dreg:$0x1] =	wrdreg $0xFFFFFFFF  }
0xc1: {  	_ =	task.clear_ibuf [dreg:s7], $0x2FFFF;
	_ =	strace $0x9FFFFFFF  }
0xc2: {  	(tm) =	ssettm $0x7FFFFFFF  }
0xc3: {  	_ =	shalt  }
tec
execute0_lowered:
.L_overlay_start_1:
0x0: {  	(tag) =	ssettag $0x1  }
0x1: {  	s5 =	rddreg [dreg:$0x0]  }
0x2: {  	s1 =	rddreg [dreg:$0x1]  }
0x3: {  	s0 =	rddreg [dreg:$0x2]  }
0x4: {  	s2 =	simm.s32 $0x0;
	s3 =	srdreg.scid;
	s9 =	simm.s32 $0x400  }
0x5: {  	s10 =	simm.s32 $0x1;
	s11 =	simm.s32 $0x20;
	s12 =	simm.s32 $0x1000  }
0x6: {  	s13 =	simm.s32 $0x0;
	[smem:$0x7FF] =	sst s2;
	s6 =	sand.u32 $0x1, s3  }
0x7: {  	s4 =	sadd.s32 $0x10800, s5;
	s3 =	stileid.u32;
	s7 =	ssub.s32 $0x2, s6  }
0x8: {  	s5 =	sadd.s32 $0x800, s5;
	_ =	strace $0x80000047;
	s8 =	sshrl.u32 s7, $0x1  }
0x9: {  	s31 =	sshll.u32 s3, $0x3;
	s6 =	sshll.u32 s6, $0x2;
	s7 =	ssub.s32 s7, s8  }
0xa: {  	s6 =	sor.u32 s6, s31;
	s8 =	simm.s32 $0x2;
	s7 =	smax.u32 s7, $0x1  }
.LBB2_1:
0xb: {  	s14 =	simm.s32 $0x0  }
.LBB2_2:
0xc: {  	s15 =	sadd.s32 s6, s14  }
0xd: {  	s16 =	sshll.u32 s15, $0x8;
	s17 =	sshll.u32 s15, $0x9;
	s18 =	sshll.u32 s15, $0x2  }
0xe: {  	s15 =	sadd.s32 s5, s17;
	v0 =	vmov s16;
	s16 =	sadd.s32 s1, s18;
	s17 =	simm.s32 $0x0  }
.LBB2_3:
0xf: {  	s18 =	sshll.u32 s17, $0x7  }
0x10: {  	s18 =	sadd.s32 s18, s15  }
0x11: {  	[tilespmem:s2], [sflag:$0x2] =	stream.linear.gather [hbm4b:s18+s2], $0x400, $0x38;
	[tilespmem:$0x8400] =	vst v63  }
0x12: {  	_ =	swait.ge [sflag:s8], $0x400  }
0x13: {  	[sflag:s8] =	ssyncset.done $0x0  }
0x14: {  	s18 =	simm.s32 $0x40;
	[sflag:s8] =	ssyncadd.s32 $0xFFFFFC00  }
0x15: {  	v3 =	vld [tilespmem:s18+$0xFFFFFFC0]  }
0x16: {  	v4 =	vld [tilespmem:s18+$0xFFFFFFD0]  }
0x17: {  	v5 =	vld [tilespmem:s18+$0xFFFFFFE0]  }
0x18: {  	v2 =	vld [tilespmem:s18+$0x0]  }
0x19: {  	v1 =	vld [tilespmem:s18+$0x10]  }
0x1a: {  	v6 =	vadd.s32 v0, v3;
	v3 =	vld [tilespmem:s18+$0x20]  }
0x1b: {  	[tilespmem:s18+$0xFFFFFFC0] =	vst v6;
	v6 =	vadd.s32 v0, v4;
	v4 =	vld [tilespmem:s18+$0x30]  }
0x1c: {  	s19 =	simm.s32 $0x0;
	s20 =	simm.s32 $0xC0;
	[tilespmem:s18+$0xFFFFFFD0] =	vst v6;
	v6 =	vadd.s32 v0, v5;
	v5 =	vld [tilespmem:s18+$0xFFFFFFF0]  }
.LBB2_4:
0x1d: {  	v7 =	vld [tilespmem:s20+$0xFFFFFFC0];
	[tilespmem:s18+$0xFFFFFFE0] =	vst v6;
	v2 =	vadd.s32 v0, v2  }
0x1e: {  	s19 =	sadd.s32 $0x8, s19;
	v6 =	vld [tilespmem:s20+$0xFFFFFFD0];
	[tilespmem:s18+$0x0] =	vst v2;
	v1 =	vadd.s32 v0, v1  }
0x1f: {  	p0 =	slt.u32 s19, $0x38;
	v8 =	vld [tilespmem:s20+$0xFFFFFFE0];
	[tilespmem:s18+$0x10] =	vst v1;
	v1 =	vadd.s32 v0, v3  }
.Ltmp0:
0x20: {  	v2 =	vld [tilespmem:s20+$0x0];
	[tilespmem:s18+$0x20] =	vst v1;
	v3 =	vadd.s32 v0, v4;
	(pc) =	sbr.rel @p0 .LBB2_4-.Ltmp0, $4  }
0x21: {  	v1 =	vld [tilespmem:s20+$0x10];
	v4 =	vadd.s32 v0, v5;
	[tilespmem:s18+$0x30] =	vst v3  }
0x22: {  	v5 =	vadd.s32 v0, v7;
	v3 =	vld [tilespmem:s20+$0x20];
	[tilespmem:s18+$0xFFFFFFF0] =	vst v4;
	s18 =	smov.u32 s20  }
0x23: {  	[tilespmem:s20+$0xFFFFFFC0] =	vst v5;
	v5 =	vadd.s32 v0, v6;
	v4 =	vld [tilespmem:s20+$0x30]  }
0x24: {  	s20 =	sadd.s32 $0x80, s20;
	[tilespmem:s18+$0xFFFFFFD0] =	vst v5;
	v6 =	vadd.s32 v0, v8;
	v5 =	vld [tilespmem:s18+$0xFFFFFFF0]  }
0x25: {  	[tilespmem:s18+$0xFFFFFFE0] =	vst v6;
	v2 =	vadd.s32 v0, v2  }
0x26: {  	[tilespmem:s18+$0x0] =	vst v2;
	v1 =	vadd.s32 v0, v1  }
0x27: {  	[tilespmem:s18+$0x10] =	vst v1;
	v1 =	vadd.s32 v0, v3  }
0x28: {  	[tilespmem:s18+$0x20] =	vst v1;
	v1 =	vadd.s32 v0, v4  }
0x29: {  	v2 =	vadd.s32 v0, v5;
	[tilespmem:s18+$0x30] =	vst v1  }
0x2a: {  	[tilespmem:s18+$0xFFFFFFF0] =	vst v2  }
0x2b: {  	[tilespmem:s9], [sflag:$0x1] =	stream.indirect.gather [hbm4b:s4+s9], $0x20, s2, s9, $0xb8;
	[tilespmem:$0x8400] =	vst v63  }
0x2c: {  	s31 =	sshll.u32 s17, $0x13;
	s17 =	sadd.s32 $0x1, s17;
	_ =	swait.ge [sflag:s10], $0x8000  }
0x2d: {  	p0 =	sne.s32 s17, $0x4;
	[sflag:s10] =	ssyncset.done $0x0  }
.Ltmp1:
0x2e: {  	s18 =	sadd.s32 s31, s16;
	[sflag:s10] =	ssyncadd.s32 $0xFFFF8000;
	(pc) =	sbr.rel @p0 .LBB2_3-.Ltmp1, $4  }
0x2f: {  	[hbm4b:s18+s11] =	stream.strided.scatter [tilespmem:s9], [sflag:$0x2], $0x8000, s12, s11, $0x38;
	[tilespmem:$0x8400] =	vst v63  }
0x30: {  	_ =	swait.ge [sflag:s8], $0x8000  }
0x31: {  	[sflag:s8] =	ssyncset.done $0x0  }
0x32: {  	[sflag:s8] =	ssyncadd.s32 $0xFFFF8000  }
0x33: {  	s14 =	sadd.s32 $0x1, s14  }
0x34: {  	p0 =	sne.s32 s14, $0x4  }
.Ltmp2:
0x35: {  	_ = 	snop;
	(pc) =	sbr.rel @p0 .LBB2_2-.Ltmp2, $1  }
0x36: {  	_ =	sdelay $0x3  }
0x37: {  	s13 =	sadd.s32 $0x1, s13  }
0x38: {  	p0 =	sne.s32 s13, s7  }
.Ltmp3:
0x39: {  	_ = 	snop;
	(pc) =	sbr.rel @p0 .LBB2_1-.Ltmp3, $1  }
0x3a: {  	_ =	sdelay $0x3  }
0x3b: {  	_ =	sfence.sel $0x180000  }
0x3c: {  	[bflag:$0x0] =	sbarrier.arrive $0xFFFF  }
0x3d: {  	p0 =	sne.s32 s3, $0x0;
	_ =	strace $0x90000047  }
0x3e: {  	s0 =	sadd.s32 @!p0 $0x100000, s0;
	[bflag:$0x2] =	sbarrier.arrive $0xFFFF  }
0x3f: {  	[sflag:s0] =	ssyncadd.tile.s32 @!p0 $0x1;
	_ =	shalt  }
.Lfunc_end2:
_tile_overlayer_lowered:
.L_overlay_start_2:
0x40: {  	(tag) =	ssettag $0x2  }
0x41: {  	s0 =	rddreg [dreg:$0x0];
	s2 =	stileid.u32  }
0x42: {  	s1 =	rddreg [dreg:$0x1];
	p0 =	sne.s32 s2, $0x0  }
0x43: {  	s3 =	rddreg [dreg:$0x2];
	[bflag:$0x3] =	sbarrier.arrive $0xFFFF;
	s2 =	simm.s32 @!p0 $0x1C02  }
0x44: {  	[timem:s3], [sflag:s2] =	dma.local @!p0 [hbm:s0], s1  }
0x45: {  	s0 =	simm.s32 @!p0 $0x2  }
0x46: {  	_ =	swait.ge @!p0 [sflag:s0], s1  }
0x47: {  	s1 =	ssub.s32 @!p0 $0x0, s1;
	[sflag:s0] =	ssyncset.done @!p0 $0x0  }
0x48: {  	[sflag:s0] =	ssyncadd.s32 @!p0 s1  }
0x49: {  	[bflag:$0x3] =	sbarrier.arrive $0xFFFF  }
0x4a: {  	_ =	shalt  }

// kernel: sparse-core-data-format-call.cloned.1.call-start
scs
called_computation_lowered:
.L_overlay_start_0:
0x0: {  	s2 =	sld [smem:$0x3FD9]  }
0x1: {  	s3 =	sld [smem:$0x3FFE];
	_ =	sdelay $0x1  }
0x2: {  	s1 =	srdreg.scid  }
0x3: {  	s0 =	sand.u32 $0x1, s1  }
0x4: {  	s18 =	sshll.u32 s0, $0xA;
	s2 =	sadd.s32 s3, s2  }
0x5: {  	s2 =	sadd.s32 s2, s18  }
0x6: {  	[smem:$0x3FC6] =	sst s2  }
0x7: {  	_ = 	snop  }
0x8: {  	s2 =	sld [smem:$0x3FD0];
	(tm) =	ssettm $0x1  }
0x9: {  	s19 =	sld [smem:$0x3FFB];
	_ =	sdelay $0x3  }
0xa: {  	_ =	strace s19  }
0xb: {  	s3 =	sld [smem:$0x3FFC];
	_ =	sdelay $0x3  }
0xc: {  	_ =	strace s3  }
0xd: {  	s3 =	sld [smem:$0x3FFD];
	_ =	sdelay $0x3  }
0xe: {  	_ =	strace s3  }
0xf: {  	_ =	strace $0x8FFFFFFF  }
0x10: {  	s20 =	sld [smem:$0x3FDB];
	_ =	sdelay $0x1  }
0x11: {  	s4 =	simm.s32 $_scs_section_size  }
0x12: {  	s5 =	simm.s32 $_size__tile_overlayer_lowered;
	s6 =	simm.s32 $_tile_overlayer_lowered  }
0x13: {  	s23 =	simm.s32 $0x1BFF;
	s22 =	sshll.u32 s6, $0x1;
	s3 =	sadd.s32 s4, s20  }
0x14: {  	s7 =	simm.s32 $0x0;
	s21 =	sshll.u32 s5, $0x1;
	s5 =	sadd.s32 s22, s3  }
0x15: {  	[timem:s7], [sflag:s23] =	dma.local [hbm:s5], s21  }
0x16: {  	_ =	swait.ge [sflag:s23], s21  }
0x17: {  	s4 =	ssub.s32 $0x0, s21;
	[sflag:s23] =	ssyncset.done $0x0  }
0x18: {  	[sflag:s23] =	ssyncadd.s32 s4;
	_ =	sdelay $0x1  }
0x19: {  	s24 =	simm.s32 $0x1B8B  }
0x1a: {  	_ =	swait.ge [sflag:s24], $0x1  }
0x1b: {  	[sflag:s24] =	ssyncset.done $0x0  }
0x1c: {  	s26 =	simm.s32 $0x1B8E;
	s25 =	sld [smem:$0x3FFE];
	[sflag:s24] =	ssyncadd.s32 $0xFFFFFFFF  }
0x1d: {  	s27 =	simm.s32 $execute0_lowered;
	[smem:$0x3FD2] =	sst s26  }
0x1e: {  	s5 =	sshll.u32 s27, $0x1;
	_ =	strace $0x80000049;
	[dreg:$0x1] =	wrdreg $0xFFFFFFFF  }
0x1f: {  	s28 =	simm.s32 $_size_execute0_lowered;
	s3 =	sadd.s32 s3, s5;
	[dreg:$0x0] =	wrdreg $0x0  }
0x20: {  	s5 =	sshll.u32 s28, $0x1;
	[dreg:$0x2] =	wrdreg s3  }
0x21: {  	[dreg:$0x3] =	wrdreg s5  }
0x22: {  	[dreg:$0x4] =	wrdreg $0xC0  }
0x23: {  	_ =	task [dreg:s7], $0x5FFFF  }
0x24: {  	[dreg:$0x1] =	wrdreg $0xFFFFFFFF  }
0x25: {  	[dreg:$0x0] =	wrdreg $0x60  }
0x26: {  	[dreg:$0x2] =	wrdreg s25  }
0x27: {  	[dreg:$0x3] =	wrdreg s2  }
0x28: {  	[dreg:$0x4] =	wrdreg $0x9  }
0x29: {  	_ =	task.clear_ibuf [dreg:s7], $0x5FFFF;
	_ =	strace $0x90000049  }
0x2a: {  	s29 =	simm.s32 $0x9;
	_ =	strace $0x8000004B  }
0x2b: {  	_ =	swait.ge [sflag:s29], $0x1  }
0x2c: {  	[sflag:s29] =	ssyncadd.s32 $0xFFFFFFFF  }
0x2d: {  	_ =	strace $0x9000004B  }
0x2e: {  	_ =	sfence  }
0x2f: {  	s30 =	sld [smem:$0x0];
	_ =	sdelay $0x2  }
0x30: {  	s31 =	sshll.u32 s1, $0xD;
	s1 =	sshrl.u32 s1, $0x2  }
0x31: {  	s3 =	sand.u32 $0x4000, s31;
	s1 =	sadd.s32 s1, s30  }
0x32: {  	s0 =	sor.u32 s3, s0;
	s1 =	sshll.u32 s1, $0x11  }
0x33: {  	s0 =	sor.u32 s1, s0  }
0x34: {  	s0 =	sadd.s32 $0x8F2B, s0  }
0x35: {  	[sflag:s0] =	ssyncadd.remote.s32 $0x1  }
0x36: {  	_ =	sfence.sel $0xFFFF  }
0x37: {  	[dreg:$0x0] =	wrdreg $0xFFFFFFFF;
	(pc) =	sbr.abs _section_cstart, $3  }
0x38: {  	[dreg:$0x1] =	wrdreg $0xFFFFFFFF  }
0x39: {  	_ =	task.clear_ibuf [dreg:s7], $0x2FFFF;
	_ =	strace $0x9FFFFFFF  }
0x3a: {  	(tm) =	ssettm $0x7FFFFFFF  }
0x3b: {  	_ =	shalt  }
tec
execute0_lowered:
.L_overlay_start_1:
0x0: {  	(tag) =	ssettag $0x1  }
0x1: {  	s0 =	srdreg.scid  }
0x2: {  	s1 =	sshll.u32 s0, $0x4  }
0x3: {  	s4 =	rddreg [dreg:$0x0];
	s0 =	stileid.u32;
	s1 =	sand.u32 $0x10, s1  }
0x4: {  	s2 =	rddreg [dreg:$0x1];
	s7 =	simm.s32 $0x1;
	s1 =	sor.u32 s0, s1  }
0x5: {  	s8 =	simm.s32 $0x2;
	s11 =	simm.s32 $0x0;
	s3 =	sshll.u32 s1, $0x2  }
0x6: {  	s10 =	simm.s32 $0x0;
	s4 =	sadd.s32 $0x800, s4;
	s6 =	ssub.s32 $0x1000, s3  }
.Ltmp0:
0x7: {  	s1 =	rddreg [dreg:$0x2];
	s5 =	sand.u32 $0x7C, s6;
	(pc) =	sbr.rel .LBB1_1-.Ltmp0, $4  }
0x8: {  	_ =	strace $0x8000004A;
	s9 =	smov.u32 s3;
	p0 =	sne.s32 s5, $0x0  }
0x9: {  	s6 =	sshrl.u32 s6, $0x7;
	s5 =	simm.s32 $0x1;
	s7 =	simm.s32 @!p0 $0x0  }
0xa: {  	[sflag:s5] =	ssyncpa.u1 $0x0;
	p0 =	por $0x0, $0x0;
	s6 =	sadd.s32 s7, s6  }
0xb: {  	[sflag:s8] =	ssyncpa.u1 $0x0;
	s8 =	simm.s32 $0x0;
	s7 =	sadd.s32 $0x1, s6  }
.LBB1_7:
0xc: {  	s13 =	sadd.s32 $0x80, s9  }
0xd: {  	p2 =	sgt.s32 s13, $0xFFF  }
0xe: {  	s13 =	smov.u32 @p2 s3;
	p2 =	sne.s32 s10, s7  }
.Ltmp1:
0xf: {  	p1 =	slt.u32 s10, $0x2;
	(pc) =	sbr.rel @!p2 .LBB1_8-.Ltmp1, $4  }
0x10: {  	s12 =	simm.s32 @!p1 $0x2  }
0x11: {  	s14 =	sadd.s32 $0x1, s10;
	_ =	swait.ge @!p1 [sflag:s12], $0x4000  }
0x12: {  	s11 =	smov.u32 s9;
	p0 =	por !p0, !p0;
	[sflag:s12] =	ssyncset.done @!p1 $0x0  }
0x13: {  	s10 =	smov.u32 s14;
	s9 =	smov.u32 s13;
	[sflag:s12] =	ssyncadd.s32 @!p1 $0xFFFFC000  }
.LBB1_1:
0x14: {  	p1 =	sge.u32 s10, s6  }
0x15: {  	s31 =	sadd.s32 $0xFFFFFFFF, s10;
	s12 =	sxor.u32 @!p1 $0xFFFFFFFF, s10  }
0x16: {  	s13 =	sshll.u32 @!p1 s9, $0xB;
	s14 =	simm.s32 @!p1 $0x20;
	s12 =	sshll.u32 @!p1 s12, $0xE  }
0x17: {  	s15 =	simm.s32 @!p1 $0x80;
	s13 =	sadd.s32 @!p1 s4, s13;
	s12 =	sand.u32 @!p1 $0x4000, s12  }
0x18: {  	[tilespmem:s12], [sflag:$0x1] =	stream.strided.gather @!p1 [hbm4b:s13+s14], $0x4000, s15, s14, $0x38;
	[tilespmem:$0x10100] =	vst v63  }
0x19: {  	p1 =	sge.u32 s31, s6  }
.Ltmp2:
0x1a: {  	_ = 	snop;
	(pc) =	sbr.rel @p1 .LBB1_7-.Ltmp2, $1  }
0x1b: {  	_ =	sdelay $0x3  }
0x1c: {  	s13 =	simm.s32 $0x1;
	s14 =	sand.u32 $0x1, s10  }
0x1d: {  	s13 =	simm.s32 @!p0 $0x0;
	s14 =	smul.u32 $0x10200, s14  }
0x1e: {  	_ =	swait.ge [sflag:s5], $0x4000;
	s12 =	smul.u32 $0x10200, s13  }
0x1f: {  	s15 =	simm.s32 $0x0;
	[sflag:s5] =	ssyncset.done $0x0;
	s13 =	sshll.u32 s13, $0xE  }
0x20: {  	[sflag:s5] =	ssyncadd.s32 $0xFFFFC000;
	s14 =	sshrl.u32 s14, $0x2;
	s12 =	sshrl.u32 s12, $0x2  }
0x21: {  	s13 =	sor.u32 $0x10, s13;
	s14 =	sor.u32 $0x8000, s14;
	s12 =	sor.u32 $0x8000, s12  }
.LBB1_3:
0x22: {  	v1 =	vld [tilespmem:s13+$0x0]  }
0x23: {  	v0 =	vld [tilespmem:s13+$0xFFFFFFF0];
	_ =	sdelay $0x2  }
0x24: {  	s18 =	sadd.s32 $0x0, s12  }
0x25: {  	s16 =	simm.s32 $0x4;
	s17 =	sadd.s32 $0x20, s13;
	[tilespmem:s18+$0x810 ss:$0x81] =	vst.msk $0xffff, v1  }
.LBB1_4:
0x26: {  	v1 =	vld [tilespmem:s17+$0x0];
	p1 =	sne.s32 s16, $0x1FC;
	[tilespmem:s18+$0x0 ss:$0x81] =	vst.msk $0xffff, v0;
	s18 =	smov.u32 s16;
	s16 =	sadd.s32 $0x4, s16  }
.Ltmp3:
0x27: {  	v0 =	vld [tilespmem:s17+$0xFFFFFFF0];
	(pc) =	sbr.rel @p1 .LBB1_4-.Ltmp3, $4  }
0x28: {  	_ = 	snop  }
0x29: {  	s18 =	sshra.s32 s18, $0x2  }
0x2a: {  	s18 =	sadd.s32 s18, s12  }
0x2b: {  	s17 =	sadd.s32 $0x20, s17;
	[tilespmem:s18+$0x810 ss:$0x81] =	vst.msk $0xffff, v1  }
0x2c: {  	s15 =	sadd.s32 $0x1, s15  }
0x2d: {  	p1 =	sne.s32 s15, $0x4  }
.Ltmp4:
0x2e: {  	_ = 	snop;
	(pc) =	sbr.rel @p1 .LBB1_3-.Ltmp4, $2  }
0x2f: {  	_ =	sdelay $0x2  }
0x30: {  	[tilespmem:s18+$0x0 ss:$0x81] =	vst.msk $0xffff, v0;
	s12 =	sadd.s32 $0x1020, s12;
	s13 =	sadd.s32 $0x1000, s13  }
.Ltmp5:
0x31: {  	(pc) =	sbr.rel .LBB1_7-.Ltmp5, $4  }
0x32: {  	_ = 	snop  }
0x33: {  	s11 =	sshll.u32 s11, $0x9  }
0x34: {  	s11 =	sadd.s32 s2, s11  }
0x35: {  	[hbm4b:s11+s8] =	stream.linear.scatter [tilespmem:s14], [sflag:$0x2], $0x4000, $0x20;
	[tilespmem:$0x10100] =	vst v63  }
.LBB1_8:
0x36: {  	_ =	sfence.sel $0x180000  }
0x37: {  	s2 =	simm.s32 $0x1;
	[bflag:$0x0] =	sbarrier.arrive $0xFFFF  }
0x38: {  	s31 =	simm.s32 $0x2;
	[sflag:s2] =	ssyncpa.u1 $0x1  }
0x39: {  	[sflag:s31] =	ssyncpa.u1 $0x1  }
0x3a: {  	p0 =	sne.s32 s0, $0x0;
	_ =	strace $0x9000004A  }
0x3b: {  	s0 =	sadd.s32 @!p0 $0x100000, s1;
	[bflag:$0x2] =	sbarrier.arrive $0xFFFF  }
0x3c: {  	[sflag:s0] =	ssyncadd.tile.s32 @!p0 $0x1;
	_ =	shalt  }
.Lfunc_end1:
_tile_overlayer_lowered:
.L_overlay_start_2:
0x3d: {  	(tag) =	ssettag $0x2  }
0x3e: {  	s0 =	rddreg [dreg:$0x0];
	s2 =	stileid.u32  }
0x3f: {  	s1 =	rddreg [dreg:$0x1];
	p0 =	sne.s32 s2, $0x0  }
0x40: {  	s3 =	rddreg [dreg:$0x2];
	[bflag:$0x3] =	sbarrier.arrive $0xFFFF;
	s2 =	simm.s32 @!p0 $0x1C01  }
0x41: {  	[timem:s3], [sflag:s2] =	dma.local @!p0 [hbm:s0], s1  }
0x42: {  	s0 =	simm.s32 @!p0 $0x1  }
0x43: {  	_ =	swait.ge @!p0 [sflag:s0], s1  }
0x44: {  	s1 =	ssub.s32 @!p0 $0x0, s1;
	[sflag:s0] =	ssyncset.done @!p0 $0x0  }
0x45: {  	[sflag:s0] =	ssyncadd.s32 @!p0 s1  }
0x46: {  	[bflag:$0x3] =	sbarrier.arrive $0xFFFF  }
0x47: {  	_ =	shalt  }

</sc_bundles>
